<compile_context>
chip_gen: v7x
topology: tpu7x:2x2x1
jax: 0.10.2.dev20260603
libtpu: 0.0.44.dev20260713+nightly
codegen_flags: <defaults>
</compile_context>

<pallas_src>
import functools

import jax
import jax.numpy as jnp
import numpy as np
from jax import lax
from jax.experimental import pallas as pl
from jax.experimental.pallas import tpu as pltpu
from jax.experimental.pallas import tpu_sc as plsc

N = 10000
E = 320000
D = 128
H = 20
C = 2

NP = 10240
WD = 32
GLR = NP * WD // 128
WD2 = 16
GL2R = NP * WD2 // 128

NC = 2
NS = 16
NW = NC * NS
CH = 128
EP = 327680
NSTEP = EP // NW // CH
NBUF = 10
NBUFD = 5
RPT = NP // NS
ORT = GLR // NS
ORT2 = GL2R // NS


def _vmesh():
    return plsc.VectorSubcoreMesh(core_axis_name="c", subcore_axis_name="s")


_SC_PARAMS = pltpu.CompilerParams(use_tc_tiling_on_sc=False)


def _permute_to_wide(narrow, wide, wd, ort, lanes=16):
    npl = wd // lanes
    rpw = 128 // wd
    cpw = 128 // lanes

    @pl.loop(0, ort)
    def _(rr):
        for cc in range(cpw):
            wide[rr, pl.ds(cc * lanes, lanes)] = narrow[
                rr * rpw + cc // npl, pl.ds((cc % npl) * lanes, lanes)
            ]


@jax.jit
def _sc_degree(dst2d):

    @functools.partial(
        pl.kernel,
        out_type=jax.ShapeDtypeStruct((NC, GLR, 128), jnp.float32),
        mesh=_vmesh(),
        compiler_params=_SC_PARAMS,
        scratch_types=[
            pltpu.VMEM((NSTEP, CH), jnp.int32),
            pltpu.VMEM((CH, WD), jnp.float32),
            pltpu.VMEM((RPT, WD), jnp.float32),
            pltpu.VMEM((ORT, 128), jnp.float32),
            pltpu.VMEM_SHARED((NP, WD), jnp.float32),
            pltpu.SemaphoreType.DMA((NBUFD,)),
        ],
    )
    def deg_kernel(dst_hbm, out_hbm, dst_v, ones_v, qbuf, pbuf, acc_sh, sems):
        cid = lax.axis_index("c")
        sid = lax.axis_index("s")
        wid = cid * NS + sid

        pltpu.sync_copy(dst_hbm.at[wid], dst_v)

        ones16 = jnp.ones((16,), jnp.float32)
        zero16 = jnp.zeros((16,), jnp.float32)

        @pl.loop(0, CH)
        def _(r):
            for c in range(WD // 16):
                ones_v[r, pl.ds(c * 16, 16)] = ones16

        @pl.loop(0, RPT)
        def _(r):
            for c in range(WD // 16):
                qbuf[r, pl.ds(c * 16, 16)] = zero16

        pltpu.sync_copy(qbuf, acc_sh.at[pl.ds(sid * RPT, RPT)])
        plsc.subcore_barrier()

        @pl.loop(0, NSTEP, step=NBUFD)
        def _(s0):
            descs = []
            for b in range(NBUFD):
                descs.append(
                    pltpu.async_copy(
                        ones_v, acc_sh.at[dst_v.at[s0 + b]],
                        sems.at[b], add=True,
                    )
                )
            for d in descs:
                d.wait()

        plsc.subcore_barrier()
        pltpu.sync_copy(acc_sh.at[pl.ds(sid * RPT, RPT)], qbuf)
        _permute_to_wide(qbuf, pbuf, WD, ORT)
        pltpu.sync_copy(pbuf, out_hbm.at[cid, pl.ds(sid * ORT, ORT)])

    return deg_kernel(dst2d)


def _make_segsum(wd, glr, ort, dtype=jnp.float32):
  lanes = 32 if dtype == jnp.bfloat16 else 16

  @jax.jit
  def _sc_segsum(gl, src2d, dst2d):

    @functools.partial(
        pl.kernel,
        out_type=jax.ShapeDtypeStruct((NC, glr, 128), dtype),
        mesh=_vmesh(),
        compiler_params=_SC_PARAMS,
        scratch_types=[
            pltpu.VMEM((NSTEP, CH), jnp.int32),
            pltpu.VMEM((NSTEP, CH), jnp.int32),
            pltpu.VMEM((NBUF, CH, wd), dtype),
            pltpu.VMEM((RPT, wd), dtype),
            pltpu.VMEM((ort, 128), dtype),
            pltpu.VMEM_SHARED((NP, wd), dtype),
            pltpu.SemaphoreType.DMA((NBUF,)),
            pltpu.SemaphoreType.DMA((NBUF,)),
        ],
    )
    def seg_kernel(
        g_hbm, src_hbm, dst_hbm, out_hbm,
        src_v, dst_v, rows_v, qbuf, pbuf, acc_sh, gsems, ssems,
    ):
        cid = lax.axis_index("c")
        sid = lax.axis_index("s")
        wid = cid * NS + sid

        pltpu.sync_copy(src_hbm.at[wid], src_v)
        pltpu.sync_copy(dst_hbm.at[wid], dst_v)

        zerov = jnp.zeros((lanes,), dtype)

        @pl.loop(0, RPT)
        def _(r):
            for c in range(wd // lanes):
                qbuf[r, pl.ds(c * lanes, lanes)] = zerov

        pltpu.sync_copy(qbuf, acc_sh.at[pl.ds(sid * RPT, RPT)])
        plsc.subcore_barrier()

        @pl.loop(0, NSTEP, step=NBUF)
        def _(s0):
            gds = []
            for b in range(NBUF):
                gds.append(
                    pltpu.async_copy(
                        g_hbm.at[src_v.at[s0 + b]], rows_v.at[b],
                        gsems.at[b],
                    )
                )
            sds = []
            for b in range(NBUF):
                gds[b].wait()
                sds.append(
                    pltpu.async_copy(
                        rows_v.at[b], acc_sh.at[dst_v.at[s0 + b]],
                        ssems.at[b], add=True,
                    )
                )
            for d in sds:
                d.wait()

        plsc.subcore_barrier()
        pltpu.sync_copy(acc_sh.at[pl.ds(sid * RPT, RPT)], qbuf)
        _permute_to_wide(qbuf, pbuf, wd, ort, lanes)
        pltpu.sync_copy(pbuf, out_hbm.at[cid, pl.ds(sid * ort, ort)])

    return seg_kernel(gl, src2d, dst2d)
  return _sc_segsum


_segsum_l1 = _make_segsum(WD, GLR, ORT)
_segsum_l2 = _make_segsum(WD2, GL2R, ORT2)


def _tc_h1(x4, w1bd):

    def body(x_ref, w_ref, h_ref):
        h_ref[...] = jnp.dot(
            x_ref[...], w_ref[...], precision=lax.Precision.HIGHEST
        )

    return pl.pallas_call(
        body, out_shape=jax.ShapeDtypeStruct((GLR, 128), jnp.float32)
    )(x4, w1bd)


def _tc_g1(h1l, degp):

    def body(h_ref, d_ref, g_ref):
        dis = lax.rsqrt(d_ref[0] + d_ref[1] + 1.0)
        g_ref[...] = h_ref[...] * dis

    return pl.pallas_call(
        body, out_shape=jax.ShapeDtypeStruct((GLR, 128), jnp.float32)
    )(h1l, degp)


def _tc_stage2(s1p, g1l, degp, b1bc, w2bd8):

    def body(s_ref, g_ref, d_ref, b_ref, w_ref, o_ref):
        dis = lax.rsqrt(d_ref[0] + d_ref[1] + 1.0)
        pre = (s_ref[0] + s_ref[1] + g_ref[...]) * dis + b_ref[...]
        act = jnp.where(pre >= 0, pre, 0.01 * pre)
        act2 = jnp.reshape(act * dis, (GL2R, 256))
        o_ref[...] = jnp.dot(
            act2, w_ref[...], precision=lax.Precision.HIGHEST
        )

    return pl.pallas_call(
        body, out_shape=jax.ShapeDtypeStruct((GL2R, 128), jnp.float32)
    )(s1p, g1l, degp, b1bc, w2bd8)


def _tc_stage3(s2p, g2l, degp, b2bc, sel_a, sel_b, dsel):

    def body(s_ref, g_ref, d_ref, b_ref, sa_ref, sb_ref, ds_ref, o_ref):
        dp2 = jnp.reshape(d_ref[0] + d_ref[1] + 1.0, (GL2R, 256))
        dp16 = jnp.dot(dp2, ds_ref[...], precision=lax.Precision.HIGHEST)
        dis = lax.rsqrt(dp16)
        z = (s_ref[0] + s_ref[1] + g_ref[...]) * dis + b_ref[...]
        za = jnp.dot(z, sa_ref[...], precision=lax.Precision.HIGHEST)
        zb = jnp.dot(z, sb_ref[...], precision=lax.Precision.HIGHEST)
        m = jnp.maximum(za, zb)
        lse = m + jnp.log(jnp.exp(za - m) + jnp.exp(zb - m))
        o_ref[...] = za - lse

    return pl.pallas_call(
        body, out_shape=jax.ShapeDtypeStruct((GL2R, 16), jnp.float32)
    )(s2p, g2l, degp, b2bc, sel_a, sel_b, dsel)


_DSEL = np.zeros((256, 128), np.float32)
for _j in range(8):
    for _c in range(16):
        _DSEL[32 * _j + _c, 16 * _j + _c] = 1.0

_SEL_A = np.zeros((128, 16), np.float32)
_SEL_B = np.zeros((128, 16), np.float32)
for _j in range(8):
    _SEL_A[16 * _j + 0, 2 * _j + 0] = 1.0
    _SEL_A[16 * _j + 1, 2 * _j + 1] = 1.0
    _SEL_B[16 * _j + 1, 2 * _j + 0] = 1.0
    _SEL_B[16 * _j + 0, 2 * _j + 1] = 1.0


@jax.jit
def kernel(x, edge_index, W1, b1, W2, b2):
    pad_idx = N + jnp.arange(EP - E, dtype=jnp.int32) % (NP - N)
    ep = jnp.concatenate([edge_index, jnp.stack([pad_idx, pad_idx])], axis=1)
    src2d = ep[0].reshape(NW, NSTEP, CH)
    dst2d = ep[1].reshape(NW, NSTEP, CH)

    x4 = jnp.pad(x, ((0, NP - N), (0, 0))).reshape(GLR, 4 * D)
    w1p = jnp.pad(W1, ((0, 0), (0, WD - H)))
    w1bd = jnp.kron(jnp.eye(4, dtype=jnp.float32), w1p)
    w2p = jnp.pad(W2, ((0, WD - H), (0, WD2 - C)))
    w2bd8 = jnp.kron(jnp.eye(8, dtype=jnp.float32), w2p)
    b1bc = jnp.tile(jnp.pad(b1, (0, WD - H)), 4).reshape(1, 128)
    b2bc = jnp.tile(jnp.pad(b2, (0, WD2 - C)), 8).reshape(1, 128)
    sel_a = jnp.asarray(_SEL_A)
    sel_b = jnp.asarray(_SEL_B)
    dsel = jnp.asarray(_DSEL)

    h1l = _tc_h1(x4, w1bd)
    degp = _sc_degree(dst2d)
    g1l = _tc_g1(h1l, degp)
    s1p = _segsum_l1(g1l.reshape(NP, WD), src2d, dst2d)
    g2l = _tc_stage2(s1p, g1l, degp, b1bc, w2bd8)
    s2p = _segsum_l2(g2l.reshape(NP, WD2), src2d, dst2d)
    out16 = _tc_stage3(s2p, g2l, degp, b2bc, sel_a, sel_b, dsel)
    return out16.reshape(NP, C)[:N]

# --- scband reference (transcript-rebuilt; emitter-appended) ---
"""Pipeline reference for scband-gcn-36928128811711 (READ-ONLY COPY).

The authoritative reference and input builder live on the scoring server;
editing this copy changes nothing except your own understanding.
"""

import jax, jax.numpy as jnp
import numpy as np

N = 10000
E = 320000
D = 128
H = 20
C = 2


def setup_inputs(seed: int = 0) -> dict:
    key = jax.random.key(seed)
    k1, k2, k3, k4, k5, k6 = jax.random.split(key, 6)
    x = jax.random.normal(k1, (N, D), dtype=jnp.float32)
    edge_index = jax.random.randint(k2, (2, E), 0, N, dtype=jnp.int32)
    W1 = jax.random.normal(k3, (D, H), dtype=jnp.float32) * (1.0 / np.sqrt(D))
    b1 = jnp.zeros((H,), dtype=jnp.float32)
    W2 = jax.random.normal(k4, (H, C), dtype=jnp.float32) * (1.0 / np.sqrt(H))
    b2 = jnp.zeros((C,), dtype=jnp.float32)
    return {"x": x, "edge_index": edge_index, "W1": W1, "b1": b1, "W2": W2, "b2": b2}


def gcn_conv(x, W, b, edge_index, n_nodes):
    # PyG GCNConv: add self-loops, symmetric normalization, then propagate.
    src = edge_index[0]
    dst = edge_index[1]
    loop = jnp.arange(n_nodes, dtype=src.dtype)
    src = jnp.concatenate([src, loop])
    dst = jnp.concatenate([dst, loop])
    ones = jnp.ones(dst.shape, dtype=x.dtype)
    deg = jax.ops.segment_sum(ones, dst, num_segments=n_nodes)
    deg_inv_sqrt = jnp.where(deg > 0, jax.lax.rsqrt(deg), 0.0)
    norm = deg_inv_sqrt[src] * deg_inv_sqrt[dst]
    h = x @ W
    msg = h[src] * norm[:, None]
    out = jax.ops.segment_sum(msg, dst, num_segments=n_nodes)
    return out + b


def reference(x, edge_index, W1, b1, W2, b2):
    h = gcn_conv(x, W1, b1, edge_index, N)
    h = jax.nn.leaky_relu(h, negative_slope=0.01)
    # F.dropout(training=self.training) -> identity in eval mode
    h = gcn_conv(h, W2, b2, edge_index, N)
    return jax.nn.log_softmax(h, axis=1)

if __name__ == "__main__":
    import jax
    _d = setup_inputs()
    print(jax.jit(kernel)(*tuple(_d.values())))

</pallas_src>

<mosaic_0001>
#map = affine_map<(d0, d1) -> (0, 0, 0)>
module attributes {stable_mosaic.version = 14 : i64} {
  func.func @deg_kernel(%arg0: i32, %arg1: i32, %arg2: memref<32x80x128xi32, #tpu.memory_space<hbm>>, %arg3: memref<2x2560x128xf32, #tpu.memory_space<hbm>>, %arg4: memref<80x128xi32, #tpu.memory_space<vmem>>, %arg5: memref<128x32xf32, #tpu.memory_space<vmem>>, %arg6: memref<640x32xf32, #tpu.memory_space<vmem>>, %arg7: memref<160x128xf32, #tpu.memory_space<vmem>>, %arg8: memref<10240x32xf32, #tpu.memory_space<vmem_shared>>, %arg9: memref<5x!tpu.dma_semaphore, #tpu.memory_space<semaphore_mem>>) attributes {dimension_semantics = [#tpu.dimension_semantics<core_parallel>, #tpu.dimension_semantics<subcore_parallel>], iteration_bounds = array<i64: 2, 16>, scalar_prefetch = 0 : i64, scratch_operands = 6 : i64, tpu.core_type = #tpu.core_type<sc_vector_subcore>, window_params = [{transform_indices = #map}, {transform_indices = #map}]} {
    %mul3A = arith.constant 16 : i32
    %mul3A_0 = arith.muli %arg0, %mul3A : i32
    %add3A = arith.addi %mul3A_0, %arg1 : i32
    "tpu.region"() ({
      %run_scoped3A = tpu.sem_alloc : memref<!tpu.dma_semaphore, #tpu.memory_space<semaphore_mem>>
      %dma_start3A = arith.constant 0 : i32
      %dma_start3A_30 = arith.constant 0 : i32
      %dma_start3A_31 = tpu.memref_slice %arg2[%add3A, %dma_start3A, %dma_start3A_30] : memref<32x80x128xi32, #tpu.memory_space<hbm>> -> memref<1x80x128xi32, #tpu.memory_space<hbm>>
      %dma_start3A_32 = tpu.memref_squeeze %dma_start3A_31 : memref<1x80x128xi32, #tpu.memory_space<hbm>> -> memref<80x128xi32, #tpu.memory_space<hbm>>
      %dma_start3A_33 = arith.constant 0 : i32
      %dma_start3A_34 = arith.constant 0 : i32
      %dma_start3A_35 = tpu.memref_slice %arg2[%add3A, %dma_start3A_33, %dma_start3A_34] : memref<32x80x128xi32, #tpu.memory_space<hbm>> -> memref<1x80x128xi32, #tpu.memory_space<hbm>>
      %dma_start3A_36 = tpu.memref_squeeze %dma_start3A_35 : memref<1x80x128xi32, #tpu.memory_space<hbm>> -> memref<80x128xi32, #tpu.memory_space<hbm>>
      tpu.enqueue_dma source(%dma_start3A_36 : memref<80x128xi32, #tpu.memory_space<hbm>>) target(%arg4 : memref<80x128xi32, #tpu.memory_space<vmem>>) target_semaphore(%run_scoped3A : memref<!tpu.dma_semaphore, #tpu.memory_space<semaphore_mem>>)
      %dma_wait3A = arith.constant 0 : i32
      %dma_wait3A_37 = arith.constant 0 : i32
      %dma_wait3A_38 = tpu.memref_slice %arg2[%add3A, %dma_wait3A, %dma_wait3A_37] : memref<32x80x128xi32, #tpu.memory_space<hbm>> -> memref<1x80x128xi32, #tpu.memory_space<hbm>>
      %dma_wait3A_39 = tpu.memref_squeeze %dma_wait3A_38 : memref<1x80x128xi32, #tpu.memory_space<hbm>> -> memref<80x128xi32, #tpu.memory_space<hbm>>
      %dma_wait3A_40 = arith.constant 0 : i32
      %dma_wait3A_41 = arith.constant 0 : i32
      %dma_wait3A_42 = tpu.memref_slice %arg2[%add3A, %dma_wait3A_40, %dma_wait3A_41] : memref<32x80x128xi32, #tpu.memory_space<hbm>> -> memref<1x80x128xi32, #tpu.memory_space<hbm>>
      %dma_wait3A_43 = tpu.memref_squeeze %dma_wait3A_42 : memref<1x80x128xi32, #tpu.memory_space<hbm>> -> memref<80x128xi32, #tpu.memory_space<hbm>>
      tpu.wait_dma2 semaphore(%run_scoped3A : memref<!tpu.dma_semaphore, #tpu.memory_space<semaphore_mem>>) src(%dma_wait3A_43 : memref<80x128xi32, #tpu.memory_space<hbm>>) dst(%arg4 : memref<80x128xi32, #tpu.memory_space<vmem>>)
      tpu.yield
    }) : () -> ()
    %broadcast_in_dim3A = arith.constant 1.000000e+00 : f32
    %broadcast_in_dim3A_1 = vector.broadcast %broadcast_in_dim3A : f32 to vector<16xf32>
    %broadcast_in_dim3A_2 = arith.constant 0.000000e+00 : f32
    %broadcast_in_dim3A_3 = vector.broadcast %broadcast_in_dim3A_2 : f32 to vector<16xf32>
    %scan3A = arith.constant 0 : i32
    %scan3A_4 = arith.constant 128 : i32
    %scan3A_5 = arith.addi %scan3A, %scan3A_4 : i32
    %scan3A_6 = arith.constant 1 : i32
    scf.for %scan3A_30 = %scan3A to %scan3A_5 step %scan3A_6  : i32 {
      %mul3A_31 = arith.constant 1 : i32
      %mul3A_32 = arith.muli %scan3A_30, %mul3A_31 : i32
      %add3A_33 = arith.constant 0 : i32
      %add3A_34 = arith.addi %add3A_33, %mul3A_32 : i32
      %swap3A = arith.index_cast %add3A_34 : i32 to index
      %swap3A_35 = arith.constant 0 : index
      %swap3A_36 = tpu.vector_load %arg5[%swap3A, %swap3A_35] {strides = array<i32>} : memref<128x32xf32, #tpu.memory_space<vmem>>, vector<1x16xf32>,
      %swap3A_37 = vector.shape_cast %swap3A_36 : vector<1x16xf32> to vector<16xf32>
      %swap3A_38 = vector.shape_cast %broadcast_in_dim3A_1 : vector<16xf32> to vector<1x16xf32>
      tpu.vector_store %arg5[%swap3A, %swap3A_35], %swap3A_38 {strides = array<i32>} : memref<128x32xf32, #tpu.memory_space<vmem>>, vector<1x16xf32>,
      %swap3A_39 = arith.index_cast %add3A_34 : i32 to index
      %swap3A_40 = arith.constant 16 : index
      %swap3A_41 = tpu.vector_load %arg5[%swap3A_39, %swap3A_40] {strides = array<i32>} : memref<128x32xf32, #tpu.memory_space<vmem>>, vector<1x16xf32>,
      %swap3A_42 = vector.shape_cast %swap3A_41 : vector<1x16xf32> to vector<16xf32>
      %swap3A_43 = vector.shape_cast %broadcast_in_dim3A_1 : vector<16xf32> to vector<1x16xf32>
      tpu.vector_store %arg5[%swap3A_39, %swap3A_40], %swap3A_43 {strides = array<i32>} : memref<128x32xf32, #tpu.memory_space<vmem>>, vector<1x16xf32>,
    }
    %scan3A_7 = arith.constant 128 : i32
    %scan3A_8 = arith.constant 0 : i32
    %scan3A_9 = arith.constant 640 : i32
    %scan3A_10 = arith.addi %scan3A_8, %scan3A_9 : i32
    %scan3A_11 = arith.constant 1 : i32
    scf.for %scan3A_30 = %scan3A_8 to %scan3A_10 step %scan3A_11  : i32 {
      %mul3A_31 = arith.constant 1 : i32
      %mul3A_32 = arith.muli %scan3A_30, %mul3A_31 : i32
      %add3A_33 = arith.constant 0 : i32
      %add3A_34 = arith.addi %add3A_33, %mul3A_32 : i32
      %swap3A = arith.index_cast %add3A_34 : i32 to index
      %swap3A_35 = arith.constant 0 : index
      %swap3A_36 = tpu.vector_load %arg6[%swap3A, %swap3A_35] {strides = array<i32>} : memref<640x32xf32, #tpu.memory_space<vmem>>, vector<1x16xf32>,
      %swap3A_37 = vector.shape_cast %swap3A_36 : vector<1x16xf32> to vector<16xf32>
      %swap3A_38 = vector.shape_cast %broadcast_in_dim3A_3 : vector<16xf32> to vector<1x16xf32>
      tpu.vector_store %arg6[%swap3A, %swap3A_35], %swap3A_38 {strides = array<i32>} : memref<640x32xf32, #tpu.memory_space<vmem>>, vector<1x16xf32>,
      %swap3A_39 = arith.index_cast %add3A_34 : i32 to index
      %swap3A_40 = arith.constant 16 : index
      %swap3A_41 = tpu.vector_load %arg6[%swap3A_39, %swap3A_40] {strides = array<i32>} : memref<640x32xf32, #tpu.memory_space<vmem>>, vector<1x16xf32>,
      %swap3A_42 = vector.shape_cast %swap3A_41 : vector<1x16xf32> to vector<16xf32>
      %swap3A_43 = vector.shape_cast %broadcast_in_dim3A_3 : vector<16xf32> to vector<1x16xf32>
      tpu.vector_store %arg6[%swap3A_39, %swap3A_40], %swap3A_43 {strides = array<i32>} : memref<640x32xf32, #tpu.memory_space<vmem>>, vector<1x16xf32>,
    }
    %scan3A_12 = arith.constant 640 : i32
    %mul3A_13 = arith.constant 640 : i32
    %mul3A_14 = arith.muli %arg1, %mul3A_13 : i32
    "tpu.region"() ({
      %run_scoped3A = tpu.sem_alloc : memref<!tpu.dma_semaphore, #tpu.memory_space<semaphore_mem>>
      %dma_start3A = arith.constant 0 : i32
      %dma_start3A_30 = tpu.memref_slice %arg8[%mul3A_14, %dma_start3A] : memref<10240x32xf32, #tpu.memory_space<vmem_shared>> -> memref<640x32xf32, #tpu.memory_space<vmem_shared>>
      %dma_start3A_31 = arith.constant 0 : i32
      %dma_start3A_32 = tpu.memref_slice %arg8[%mul3A_14, %dma_start3A_31] : memref<10240x32xf32, #tpu.memory_space<vmem_shared>> -> memref<640x32xf32, #tpu.memory_space<vmem_shared>>
      tpu.enqueue_dma source(%arg6 : memref<640x32xf32, #tpu.memory_space<vmem>>) target(%dma_start3A_32 : memref<640x32xf32, #tpu.memory_space<vmem_shared>>) target_semaphore(%run_scoped3A : memref<!tpu.dma_semaphore, #tpu.memory_space<semaphore_mem>>)
      %dma_wait3A = arith.constant 0 : i32
      %dma_wait3A_33 = tpu.memref_slice %arg8[%mul3A_14, %dma_wait3A] : memref<10240x32xf32, #tpu.memory_space<vmem_shared>> -> memref<640x32xf32, #tpu.memory_space<vmem_shared>>
      %dma_wait3A_34 = arith.constant 0 : i32
      %dma_wait3A_35 = tpu.memref_slice %arg8[%mul3A_14, %dma_wait3A_34] : memref<10240x32xf32, #tpu.memory_space<vmem_shared>> -> memref<640x32xf32, #tpu.memory_space<vmem_shared>>
      tpu.wait_dma2 semaphore(%run_scoped3A : memref<!tpu.dma_semaphore, #tpu.memory_space<semaphore_mem>>) src(%arg6 : memref<640x32xf32, #tpu.memory_space<vmem>>) dst(%dma_wait3A_35 : memref<640x32xf32, #tpu.memory_space<vmem_shared>>)
      tpu.yield
    }) : () -> ()
    %barrier3A = arith.constant 0 : index
    tpu.barrier barrier_id(%barrier3A)
    %scan3A_15 = arith.constant 0 : i32
    %scan3A_16 = arith.constant 16 : i32
    %scan3A_17 = arith.addi %scan3A_15, %scan3A_16 : i32
    %scan3A_18 = arith.constant 1 : i32
    scf.for %scan3A_30 = %scan3A_15 to %scan3A_17 step %scan3A_18  : i32 {
      %mul3A_31 = arith.constant 5 : i32
      %mul3A_32 = arith.muli %scan3A_30, %mul3A_31 : i32
      %add3A_33 = arith.constant 0 : i32
      %add3A_34 = arith.addi %add3A_33, %mul3A_32 : i32
      %add3A_35 = arith.constant 0 : i32
      %add3A_36 = arith.addi %add3A_34, %add3A_35 : i32
      %dma_start3A = arith.constant 0 : i32
      %dma_start3A_37 = arith.constant 0 : i32
      %dma_start3A_38 = tpu.memref_slice %arg4[%add3A_36, %dma_start3A_37] : memref<80x128xi32, #tpu.memory_space<vmem>> -> memref<1x128xi32, #tpu.memory_space<vmem>>
      %dma_start3A_39 = tpu.memref_squeeze %dma_start3A_38 : memref<1x128xi32, #tpu.memory_space<vmem>> -> memref<128xi32, #tpu.memory_space<vmem>>
      %dma_start3A_40 = arith.constant 0 : i32
      %dma_start3A_41 = arith.constant 0 : i32
      %dma_start3A_42 = tpu.memref_slice %arg8[%dma_start3A_40, %dma_start3A_41] : memref<10240x32xf32, #tpu.memory_space<vmem_shared>> -> memref<10240x32xf32, #tpu.memory_space<vmem_shared>>
      %dma_start3A_43 = tpu.memref_slice %arg9[%dma_start3A] : memref<5x!tpu.dma_semaphore, #tpu.memory_space<semaphore_mem>> -> memref<1x!tpu.dma_semaphore, #tpu.memory_space<semaphore_mem>>
      %dma_start3A_44 = tpu.memref_squeeze %dma_start3A_43 : memref<1x!tpu.dma_semaphore, #tpu.memory_space<semaphore_mem>> -> memref<!tpu.dma_semaphore, #tpu.memory_space<semaphore_mem>>
      tpu.enqueue_indirect_dma source(%arg5 : memref<128x32xf32, #tpu.memory_space<vmem>>) target(%dma_start3A_42 : memref<10240x32xf32, #tpu.memory_space<vmem_shared>>) offsets(%dma_start3A_39 : memref<128xi32, #tpu.memory_space<vmem>>) semaphore(%dma_start3A_44 : memref<!tpu.dma_semaphore, #tpu.memory_space<semaphore_mem>>) {add = true}
      %add3A_45 = arith.constant 1 : i32
      %add3A_46 = arith.addi %add3A_34, %add3A_45 : i32
      %dma_start3A_47 = arith.constant 1 : i32
      %dma_start3A_48 = arith.constant 0 : i32
      %dma_start3A_49 = tpu.memref_slice %arg4[%add3A_46, %dma_start3A_48] : memref<80x128xi32, #tpu.memory_space<vmem>> -> memref<1x128xi32, #tpu.memory_space<vmem>>
      %dma_start3A_50 = tpu.memref_squeeze %dma_start3A_49 : memref<1x128xi32, #tpu.memory_space<vmem>> -> memref<128xi32, #tpu.memory_space<vmem>>
      %dma_start3A_51 = arith.constant 0 : i32
      %dma_start3A_52 = arith.constant 0 : i32
      %dma_start3A_53 = tpu.memref_slice %arg8[%dma_start3A_51, %dma_start3A_52] : memref<10240x32xf32, #tpu.memory_space<vmem_shared>> -> memref<10240x32xf32, #tpu.memory_space<vmem_shared>>
      %dma_start3A_54 = tpu.memref_slice %arg9[%dma_start3A_47] : memref<5x!tpu.dma_semaphore, #tpu.memory_space<semaphore_mem>> -> memref<1x!tpu.dma_semaphore, #tpu.memory_space<semaphore_mem>>
      %dma_start3A_55 = tpu.memref_squeeze %dma_start3A_54 : memref<1x!tpu.dma_semaphore, #tpu.memory_space<semaphore_mem>> -> memref<!tpu.dma_semaphore, #tpu.memory_space<semaphore_mem>>
      tpu.enqueue_indirect_dma source(%arg5 : memref<128x32xf32, #tpu.memory_space<vmem>>) target(%dma_start3A_53 : memref<10240x32xf32, #tpu.memory_space<vmem_shared>>) offsets(%dma_start3A_50 : memref<128xi32, #tpu.memory_space<vmem>>) semaphore(%dma_start3A_55 : memref<!tpu.dma_semaphore, #tpu.memory_space<semaphore_mem>>) {add = true}
      %add3A_56 = arith.constant 2 : i32
      %add3A_57 = arith.addi %add3A_34, %add3A_56 : i32
      %dma_start3A_58 = arith.constant 2 : i32
      %dma_start3A_59 = arith.constant 0 : i32
      %dma_start3A_60 = tpu.memref_slice %arg4[%add3A_57, %dma_start3A_59] : memref<80x128xi32, #tpu.memory_space<vmem>> -> memref<1x128xi32, #tpu.memory_space<vmem>>
      %dma_start3A_61 = tpu.memref_squeeze %dma_start3A_60 : memref<1x128xi32, #tpu.memory_space<vmem>> -> memref<128xi32, #tpu.memory_space<vmem>>
      %dma_start3A_62 = arith.constant 0 : i32
      %dma_start3A_63 = arith.constant 0 : i32
      %dma_start3A_64 = tpu.memref_slice %arg8[%dma_start3A_62, %dma_start3A_63] : memref<10240x32xf32, #tpu.memory_space<vmem_shared>> -> memref<10240x32xf32, #tpu.memory_space<vmem_shared>>
      %dma_start3A_65 = tpu.memref_slice %arg9[%dma_start3A_58] : memref<5x!tpu.dma_semaphore, #tpu.memory_space<semaphore_mem>> -> memref<1x!tpu.dma_semaphore, #tpu.memory_space<semaphore_mem>>
      %dma_start3A_66 = tpu.memref_squeeze %dma_start3A_65 : memref<1x!tpu.dma_semaphore, #tpu.memory_space<semaphore_mem>> -> memref<!tpu.dma_semaphore, #tpu.memory_space<semaphore_mem>>
      tpu.enqueue_indirect_dma source(%arg5 : memref<128x32xf32, #tpu.memory_space<vmem>>) target(%dma_start3A_64 : memref<10240x32xf32, #tpu.memory_space<vmem_shared>>) offsets(%dma_start3A_61 : memref<128xi32, #tpu.memory_space<vmem>>) semaphore(%dma_start3A_66 : memref<!tpu.dma_semaphore, #tpu.memory_space<semaphore_mem>>) {add = true}
      %add3A_67 = arith.constant 3 : i32
      %add3A_68 = arith.addi %add3A_34, %add3A_67 : i32
      %dma_start3A_69 = arith.constant 3 : i32
      %dma_start3A_70 = arith.constant 0 : i32
      %dma_start3A_71 = tpu.memref_slice %arg4[%add3A_68, %dma_start3A_70] : memref<80x128xi32, #tpu.memory_space<vmem>> -> memref<1x128xi32, #tpu.memory_space<vmem>>
      %dma_start3A_72 = tpu.memref_squeeze %dma_start3A_71 : memref<1x128xi32, #tpu.memory_space<vmem>> -> memref<128xi32, #tpu.memory_space<vmem>>
      %dma_start3A_73 = arith.constant 0 : i32
      %dma_start3A_74 = arith.constant 0 : i32
      %dma_start3A_75 = tpu.memref_slice %arg8[%dma_start3A_73, %dma_start3A_74] : memref<10240x32xf32, #tpu.memory_space<vmem_shared>> -> memref<10240x32xf32, #tpu.memory_space<vmem_shared>>
      %dma_start3A_76 = tpu.memref_slice %arg9[%dma_start3A_69] : memref<5x!tpu.dma_semaphore, #tpu.memory_space<semaphore_mem>> -> memref<1x!tpu.dma_semaphore, #tpu.memory_space<semaphore_mem>>
      %dma_start3A_77 = tpu.memref_squeeze %dma_start3A_76 : memref<1x!tpu.dma_semaphore, #tpu.memory_space<semaphore_mem>> -> memref<!tpu.dma_semaphore, #tpu.memory_space<semaphore_mem>>
      tpu.enqueue_indirect_dma source(%arg5 : memref<128x32xf32, #tpu.memory_space<vmem>>) target(%dma_start3A_75 : memref<10240x32xf32, #tpu.memory_space<vmem_shared>>) offsets(%dma_start3A_72 : memref<128xi32, #tpu.memory_space<vmem>>) semaphore(%dma_start3A_77 : memref<!tpu.dma_semaphore, #tpu.memory_space<semaphore_mem>>) {add = true}
      %add3A_78 = arith.constant 4 : i32
      %add3A_79 = arith.addi %add3A_34, %add3A_78 : i32
      %dma_start3A_80 = arith.constant 4 : i32
      %dma_start3A_81 = arith.constant 0 : i32
      %dma_start3A_82 = tpu.memref_slice %arg4[%add3A_79, %dma_start3A_81] : memref<80x128xi32, #tpu.memory_space<vmem>> -> memref<1x128xi32, #tpu.memory_space<vmem>>
      %dma_start3A_83 = tpu.memref_squeeze %dma_start3A_82 : memref<1x128xi32, #tpu.memory_space<vmem>> -> memref<128xi32, #tpu.memory_space<vmem>>
      %dma_start3A_84 = arith.constant 0 : i32
      %dma_start3A_85 = arith.constant 0 : i32
      %dma_start3A_86 = tpu.memref_slice %arg8[%dma_start3A_84, %dma_start3A_85] : memref<10240x32xf32, #tpu.memory_space<vmem_shared>> -> memref<10240x32xf32, #tpu.memory_space<vmem_shared>>
      %dma_start3A_87 = tpu.memref_slice %arg9[%dma_start3A_80] : memref<5x!tpu.dma_semaphore, #tpu.memory_space<semaphore_mem>> -> memref<1x!tpu.dma_semaphore, #tpu.memory_space<semaphore_mem>>
      %dma_start3A_88 = tpu.memref_squeeze %dma_start3A_87 : memref<1x!tpu.dma_semaphore, #tpu.memory_space<semaphore_mem>> -> memref<!tpu.dma_semaphore, #tpu.memory_space<semaphore_mem>>
      tpu.enqueue_indirect_dma source(%arg5 : memref<128x32xf32, #tpu.memory_space<vmem>>) target(%dma_start3A_86 : memref<10240x32xf32, #tpu.memory_space<vmem_shared>>) offsets(%dma_start3A_83 : memref<128xi32, #tpu.memory_space<vmem>>) semaphore(%dma_start3A_88 : memref<!tpu.dma_semaphore, #tpu.memory_space<semaphore_mem>>) {add = true}
      %dma_wait3A = arith.constant 0 : i32
      %dma_wait3A_89 = arith.constant 0 : i32
      %dma_wait3A_90 = tpu.memref_slice %arg4[%add3A_36, %dma_wait3A_89] : memref<80x128xi32, #tpu.memory_space<vmem>> -> memref<1x128xi32, #tpu.memory_space<vmem>>
      %dma_wait3A_91 = tpu.memref_squeeze %dma_wait3A_90 : memref<1x128xi32, #tpu.memory_space<vmem>> -> memref<128xi32, #tpu.memory_space<vmem>>
      %dma_wait3A_92 = arith.constant 0 : i32
      %dma_wait3A_93 = arith.constant 0 : i32
      %dma_wait3A_94 = tpu.memref_slice %arg8[%dma_wait3A_92, %dma_wait3A_93] : memref<10240x32xf32, #tpu.memory_space<vmem_shared>> -> memref<10240x32xf32, #tpu.memory_space<vmem_shared>>
      %dma_wait3A_95 = tpu.memref_slice %arg9[%dma_wait3A] : memref<5x!tpu.dma_semaphore, #tpu.memory_space<semaphore_mem>> -> memref<1x!tpu.dma_semaphore, #tpu.memory_space<semaphore_mem>>
      %dma_wait3A_96 = tpu.memref_squeeze %dma_wait3A_95 : memref<1x!tpu.dma_semaphore, #tpu.memory_space<semaphore_mem>> -> memref<!tpu.dma_semaphore, #tpu.memory_space<semaphore_mem>>
      tpu.wait_indirect_dma semaphore(%dma_wait3A_96 : memref<!tpu.dma_semaphore, #tpu.memory_space<semaphore_mem>>) src(%arg5 : memref<128x32xf32, #tpu.memory_space<vmem>>) dst(%dma_wait3A_94 : memref<10240x32xf32, #tpu.memory_space<vmem_shared>>)
      %dma_wait3A_97 = arith.constant 1 : i32
      %dma_wait3A_98 = arith.constant 0 : i32
      %dma_wait3A_99 = tpu.memref_slice %arg4[%add3A_46, %dma_wait3A_98] : memref<80x128xi32, #tpu.memory_space<vmem>> -> memref<1x128xi32, #tpu.memory_space<vmem>>
      %dma_wait3A_100 = tpu.memref_squeeze %dma_wait3A_99 : memref<1x128xi32, #tpu.memory_space<vmem>> -> memref<128xi32, #tpu.memory_space<vmem>>
      %dma_wait3A_101 = arith.constant 0 : i32
      %dma_wait3A_102 = arith.constant 0 : i32
      %dma_wait3A_103 = tpu.memref_slice %arg8[%dma_wait3A_101, %dma_wait3A_102] : memref<10240x32xf32, #tpu.memory_space<vmem_shared>> -> memref<10240x32xf32, #tpu.memory_space<vmem_shared>>
      %dma_wait3A_104 = tpu.memref_slice %arg9[%dma_wait3A_97] : memref<5x!tpu.dma_semaphore, #tpu.memory_space<semaphore_mem>> -> memref<1x!tpu.dma_semaphore, #tpu.memory_space<semaphore_mem>>
      %dma_wait3A_105 = tpu.memref_squeeze %dma_wait3A_104 : memref<1x!tpu.dma_semaphore, #tpu.memory_space<semaphore_mem>> -> memref<!tpu.dma_semaphore, #tpu.memory_space<semaphore_mem>>
      tpu.wait_indirect_dma semaphore(%dma_wait3A_105 : memref<!tpu.dma_semaphore, #tpu.memory_space<semaphore_mem>>) src(%arg5 : memref<128x32xf32, #tpu.memory_space<vmem>>) dst(%dma_wait3A_103 : memref<10240x32xf32, #tpu.memory_space<vmem_shared>>)
      %dma_wait3A_106 = arith.constant 2 : i32
      %dma_wait3A_107 = arith.constant 0 : i32
      %dma_wait3A_108 = tpu.memref_slice %arg4[%add3A_57, %dma_wait3A_107] : memref<80x128xi32, #tpu.memory_space<vmem>> -> memref<1x128xi32, #tpu.memory_space<vmem>>
      %dma_wait3A_109 = tpu.memref_squeeze %dma_wait3A_108 : memref<1x128xi32, #tpu.memory_space<vmem>> -> memref<128xi32, #tpu.memory_space<vmem>>
      %dma_wait3A_110 = arith.constant 0 : i32
      %dma_wait3A_111 = arith.constant 0 : i32
      %dma_wait3A_112 = tpu.memref_slice %arg8[%dma_wait3A_110, %dma_wait3A_111] : memref<10240x32xf32, #tpu.memory_space<vmem_shared>> -> memref<10240x32xf32, #tpu.memory_space<vmem_shared>>
      %dma_wait3A_113 = tpu.memref_slice %arg9[%dma_wait3A_106] : memref<5x!tpu.dma_semaphore, #tpu.memory_space<semaphore_mem>> -> memref<1x!tpu.dma_semaphore, #tpu.memory_space<semaphore_mem>>
      %dma_wait3A_114 = tpu.memref_squeeze %dma_wait3A_113 : memref<1x!tpu.dma_semaphore, #tpu.memory_space<semaphore_mem>> -> memref<!tpu.dma_semaphore, #tpu.memory_space<semaphore_mem>>
      tpu.wait_indirect_dma semaphore(%dma_wait3A_114 : memref<!tpu.dma_semaphore, #tpu.memory_space<semaphore_mem>>) src(%arg5 : memref<128x32xf32, #tpu.memory_space<vmem>>) dst(%dma_wait3A_112 : memref<10240x32xf32, #tpu.memory_space<vmem_shared>>)
      %dma_wait3A_115 = arith.constant 3 : i32
      %dma_wait3A_116 = arith.constant 0 : i32
      %dma_wait3A_117 = tpu.memref_slice %arg4[%add3A_68, %dma_wait3A_116] : memref<80x128xi32, #tpu.memory_space<vmem>> -> memref<1x128xi32, #tpu.memory_space<vmem>>
      %dma_wait3A_118 = tpu.memref_squeeze %dma_wait3A_117 : memref<1x128xi32, #tpu.memory_space<vmem>> -> memref<128xi32, #tpu.memory_space<vmem>>
      %dma_wait3A_119 = arith.constant 0 : i32
      %dma_wait3A_120 = arith.constant 0 : i32
      %dma_wait3A_121 = tpu.memref_slice %arg8[%dma_wait3A_119, %dma_wait3A_120] : memref<10240x32xf32, #tpu.memory_space<vmem_shared>> -> memref<10240x32xf32, #tpu.memory_space<vmem_shared>>
      %dma_wait3A_122 = tpu.memref_slice %arg9[%dma_wait3A_115] : memref<5x!tpu.dma_semaphore, #tpu.memory_space<semaphore_mem>> -> memref<1x!tpu.dma_semaphore, #tpu.memory_space<semaphore_mem>>
      %dma_wait3A_123 = tpu.memref_squeeze %dma_wait3A_122 : memref<1x!tpu.dma_semaphore, #tpu.memory_space<semaphore_mem>> -> memref<!tpu.dma_semaphore, #tpu.memory_space<semaphore_mem>>
      tpu.wait_indirect_dma semaphore(%dma_wait3A_123 : memref<!tpu.dma_semaphore, #tpu.memory_space<semaphore_mem>>) src(%arg5 : memref<128x32xf32, #tpu.memory_space<vmem>>) dst(%dma_wait3A_121 : memref<10240x32xf32, #tpu.memory_space<vmem_shared>>)
      %dma_wait3A_124 = arith.constant 4 : i32
      %dma_wait3A_125 = arith.constant 0 : i32
      %dma_wait3A_126 = tpu.memref_slice %arg4[%add3A_79, %dma_wait3A_125] : memref<80x128xi32, #tpu.memory_space<vmem>> -> memref<1x128xi32, #tpu.memory_space<vmem>>
      %dma_wait3A_127 = tpu.memref_squeeze %dma_wait3A_126 : memref<1x128xi32, #tpu.memory_space<vmem>> -> memref<128xi32, #tpu.memory_space<vmem>>
      %dma_wait3A_128 = arith.constant 0 : i32
      %dma_wait3A_129 = arith.constant 0 : i32
      %dma_wait3A_130 = tpu.memref_slice %arg8[%dma_wait3A_128, %dma_wait3A_129] : memref<10240x32xf32, #tpu.memory_space<vmem_shared>> -> memref<10240x32xf32, #tpu.memory_space<vmem_shared>>
      %dma_wait3A_131 = tpu.memref_slice %arg9[%dma_wait3A_124] : memref<5x!tpu.dma_semaphore, #tpu.memory_space<semaphore_mem>> -> memref<1x!tpu.dma_semaphore, #tpu.memory_space<semaphore_mem>>
      %dma_wait3A_132 = tpu.memref_squeeze %dma_wait3A_131 : memref<1x!tpu.dma_semaphore, #tpu.memory_space<semaphore_mem>> -> memref<!tpu.dma_semaphore, #tpu.memory_space<semaphore_mem>>
      tpu.wait_indirect_dma semaphore(%dma_wait3A_132 : memref<!tpu.dma_semaphore, #tpu.memory_space<semaphore_mem>>) src(%arg5 : memref<128x32xf32, #tpu.memory_space<vmem>>) dst(%dma_wait3A_130 : memref<10240x32xf32, #tpu.memory_space<vmem_shared>>)
    }
    %scan3A_19 = arith.constant 16 : i32
    %barrier3A_20 = arith.constant 0 : index
    tpu.barrier barrier_id(%barrier3A_20)
    %mul3A_21 = arith.constant 640 : i32
    %mul3A_22 = arith.muli %arg1, %mul3A_21 : i32
    "tpu.region"() ({
      %run_scoped3A = tpu.sem_alloc : memref<!tpu.dma_semaphore, #tpu.memory_space<semaphore_mem>>
      %dma_start3A = arith.constant 0 : i32
      %dma_start3A_30 = tpu.memref_slice %arg8[%mul3A_22, %dma_start3A] : memref<10240x32xf32, #tpu.memory_space<vmem_shared>> -> memref<640x32xf32, #tpu.memory_space<vmem_shared>>
      %dma_start3A_31 = arith.constant 0 : i32
      %dma_start3A_32 = tpu.memref_slice %arg8[%mul3A_22, %dma_start3A_31] : memref<10240x32xf32, #tpu.memory_space<vmem_shared>> -> memref<640x32xf32, #tpu.memory_space<vmem_shared>>
      tpu.enqueue_dma source(%dma_start3A_32 : memref<640x32xf32, #tpu.memory_space<vmem_shared>>) target(%arg6 : memref<640x32xf32, #tpu.memory_space<vmem>>) target_semaphore(%run_scoped3A : memref<!tpu.dma_semaphore, #tpu.memory_space<semaphore_mem>>)
      %dma_wait3A = arith.constant 0 : i32
      %dma_wait3A_33 = tpu.memref_slice %arg8[%mul3A_22, %dma_wait3A] : memref<10240x32xf32, #tpu.memory_space<vmem_shared>> -> memref<640x32xf32, #tpu.memory_space<vmem_shared>>
      %dma_wait3A_34 = arith.constant 0 : i32
      %dma_wait3A_35 = tpu.memref_slice %arg8[%mul3A_22, %dma_wait3A_34] : memref<10240x32xf32, #tpu.memory_space<vmem_shared>> -> memref<640x32xf32, #tpu.memory_space<vmem_shared>>
      tpu.wait_dma2 semaphore(%run_scoped3A : memref<!tpu.dma_semaphore, #tpu.memory_space<semaphore_mem>>) src(%dma_wait3A_35 : memref<640x32xf32, #tpu.memory_space<vmem_shared>>) dst(%arg6 : memref<640x32xf32, #tpu.memory_space<vmem>>)
      tpu.yield
    }) : () -> ()
    %scan3A_23 = arith.constant 0 : i32
    %scan3A_24 = arith.constant 160 : i32
    %scan3A_25 = arith.addi %scan3A_23, %scan3A_24 : i32
    %scan3A_26 = arith.constant 1 : i32
    scf.for %scan3A_30 = %scan3A_23 to %scan3A_25 step %scan3A_26  : i32 {
      %mul3A_31 = arith.constant 1 : i32
      %mul3A_32 = arith.muli %scan3A_30, %mul3A_31 : i32
      %add3A_33 = arith.constant 0 : i32
      %add3A_34 = arith.addi %add3A_33, %mul3A_32 : i32
      %mul3A_35 = arith.constant 4 : i32
      %mul3A_36 = arith.muli %add3A_34, %mul3A_35 : i32
      %add3A_37 = arith.constant 0 : i32
      %add3A_38 = arith.addi %mul3A_36, %add3A_37 : i32
      %get3A = arith.index_cast %add3A_38 : i32 to index
      %get3A_39 = arith.constant 0 : index
      %get3A_40 = tpu.vector_load %arg6[%get3A, %get3A_39] {strides = array<i32>} : memref<640x32xf32, #tpu.memory_space<vmem>>, vector<1x16xf32>,
      %get3A_41 = vector.shape_cast %get3A_40 : vector<1x16xf32> to vector<16xf32>
      %swap3A = arith.index_cast %add3A_34 : i32 to index
      %swap3A_42 = arith.constant 0 : index
      %swap3A_43 = tpu.vector_load %arg7[%swap3A, %swap3A_42] {strides = array<i32>} : memref<160x128xf32, #tpu.memory_space<vmem>>, vector<1x16xf32>,
      %swap3A_44 = vector.shape_cast %swap3A_43 : vector<1x16xf32> to vector<16xf32>
      %swap3A_45 = vector.shape_cast %get3A_41 : vector<16xf32> to vector<1x16xf32>
      tpu.vector_store %arg7[%swap3A, %swap3A_42], %swap3A_45 {strides = array<i32>} : memref<160x128xf32, #tpu.memory_space<vmem>>, vector<1x16xf32>,
      %mul3A_46 = arith.constant 4 : i32
      %mul3A_47 = arith.muli %add3A_34, %mul3A_46 : i32
      %add3A_48 = arith.constant 0 : i32
      %add3A_49 = arith.addi %mul3A_47, %add3A_48 : i32
      %get3A_50 = arith.index_cast %add3A_49 : i32 to index
      %get3A_51 = arith.constant 16 : index
      %get3A_52 = tpu.vector_load %arg6[%get3A_50, %get3A_51] {strides = array<i32>} : memref<640x32xf32, #tpu.memory_space<vmem>>, vector<1x16xf32>,
      %get3A_53 = vector.shape_cast %get3A_52 : vector<1x16xf32> to vector<16xf32>
      %swap3A_54 = arith.index_cast %add3A_34 : i32 to index
      %swap3A_55 = arith.constant 16 : index
      %swap3A_56 = tpu.vector_load %arg7[%swap3A_54, %swap3A_55] {strides = array<i32>} : memref<160x128xf32, #tpu.memory_space<vmem>>, vector<1x16xf32>,
      %swap3A_57 = vector.shape_cast %swap3A_56 : vector<1x16xf32> to vector<16xf32>
      %swap3A_58 = vector.shape_cast %get3A_53 : vector<16xf32> to vector<1x16xf32>
      tpu.vector_store %arg7[%swap3A_54, %swap3A_55], %swap3A_58 {strides = array<i32>} : memref<160x128xf32, #tpu.memory_space<vmem>>, vector<1x16xf32>,
      %mul3A_59 = arith.constant 4 : i32
      %mul3A_60 = arith.muli %add3A_34, %mul3A_59 : i32
      %add3A_61 = arith.constant 1 : i32
      %add3A_62 = arith.addi %mul3A_60, %add3A_61 : i32
      %get3A_63 = arith.index_cast %add3A_62 : i32 to index
      %get3A_64 = arith.constant 0 : index
      %get3A_65 = tpu.vector_load %arg6[%get3A_63, %get3A_64] {strides = array<i32>} : memref<640x32xf32, #tpu.memory_space<vmem>>, vector<1x16xf32>,
      %get3A_66 = vector.shape_cast %get3A_65 : vector<1x16xf32> to vector<16xf32>
      %swap3A_67 = arith.index_cast %add3A_34 : i32 to index
      %swap3A_68 = arith.constant 32 : index
      %swap3A_69 = tpu.vector_load %arg7[%swap3A_67, %swap3A_68] {strides = array<i32>} : memref<160x128xf32, #tpu.memory_space<vmem>>, vector<1x16xf32>,
      %swap3A_70 = vector.shape_cast %swap3A_69 : vector<1x16xf32> to vector<16xf32>
      %swap3A_71 = vector.shape_cast %get3A_66 : vector<16xf32> to vector<1x16xf32>
      tpu.vector_store %arg7[%swap3A_67, %swap3A_68], %swap3A_71 {strides = array<i32>} : memref<160x128xf32, #tpu.memory_space<vmem>>, vector<1x16xf32>,
      %mul3A_72 = arith.constant 4 : i32
      %mul3A_73 = arith.muli %add3A_34, %mul3A_72 : i32
      %add3A_74 = arith.constant 1 : i32
      %add3A_75 = arith.addi %mul3A_73, %add3A_74 : i32
      %get3A_76 = arith.index_cast %add3A_75 : i32 to index
      %get3A_77 = arith.constant 16 : index
      %get3A_78 = tpu.vector_load %arg6[%get3A_76, %get3A_77] {strides = array<i32>} : memref<640x32xf32, #tpu.memory_space<vmem>>, vector<1x16xf32>,
      %get3A_79 = vector.shape_cast %get3A_78 : vector<1x16xf32> to vector<16xf32>
      %swap3A_80 = arith.index_cast %add3A_34 : i32 to index
      %swap3A_81 = arith.constant 48 : index
      %swap3A_82 = tpu.vector_load %arg7[%swap3A_80, %swap3A_81] {strides = array<i32>} : memref<160x128xf32, #tpu.memory_space<vmem>>, vector<1x16xf32>,
      %swap3A_83 = vector.shape_cast %swap3A_82 : vector<1x16xf32> to vector<16xf32>
      %swap3A_84 = vector.shape_cast %get3A_79 : vector<16xf32> to vector<1x16xf32>
      tpu.vector_store %arg7[%swap3A_80, %swap3A_81], %swap3A_84 {strides = array<i32>} : memref<160x128xf32, #tpu.memory_space<vmem>>, vector<1x16xf32>,
      %mul3A_85 = arith.constant 4 : i32
      %mul3A_86 = arith.muli %add3A_34, %mul3A_85 : i32
      %add3A_87 = arith.constant 2 : i32
      %add3A_88 = arith.addi %mul3A_86, %add3A_87 : i32
      %get3A_89 = arith.index_cast %add3A_88 : i32 to index
      %get3A_90 = arith.constant 0 : index
      %get3A_91 = tpu.vector_load %arg6[%get3A_89, %get3A_90] {strides = array<i32>} : memref<640x32xf32, #tpu.memory_space<vmem>>, vector<1x16xf32>,
      %get3A_92 = vector.shape_cast %get3A_91 : vector<1x16xf32> to vector<16xf32>
      %swap3A_93 = arith.index_cast %add3A_34 : i32 to index
      %swap3A_94 = arith.constant 64 : index
      %swap3A_95 = tpu.vector_load %arg7[%swap3A_93, %swap3A_94] {strides = array<i32>} : memref<160x128xf32, #tpu.memory_space<vmem>>, vector<1x16xf32>,
      %swap3A_96 = vector.shape_cast %swap3A_95 : vector<1x16xf32> to vector<16xf32>
      %swap3A_97 = vector.shape_cast %get3A_92 : vector<16xf32> to vector<1x16xf32>
      tpu.vector_store %arg7[%swap3A_93, %swap3A_94], %swap3A_97 {strides = array<i32>} : memref<160x128xf32, #tpu.memory_space<vmem>>, vector<1x16xf32>,
      %mul3A_98 = arith.constant 4 : i32
      %mul3A_99 = arith.muli %add3A_34, %mul3A_98 : i32
      %add3A_100 = arith.constant 2 : i32
      %add3A_101 = arith.addi %mul3A_99, %add3A_100 : i32
      %get3A_102 = arith.index_cast %add3A_101 : i32 to index
      %get3A_103 = arith.constant 16 : index
      %get3A_104 = tpu.vector_load %arg6[%get3A_102, %get3A_103] {strides = array<i32>} : memref<640x32xf32, #tpu.memory_space<vmem>>, vector<1x16xf32>,
      %get3A_105 = vector.shape_cast %get3A_104 : vector<1x16xf32> to vector<16xf32>
      %swap3A_106 = arith.index_cast %add3A_34 : i32 to index
      %swap3A_107 = arith.constant 80 : index
      %swap3A_108 = tpu.vector_load %arg7[%swap3A_106, %swap3A_107] {strides = array<i32>} : memref<160x128xf32, #tpu.memory_space<vmem>>, vector<1x16xf32>,
      %swap3A_109 = vector.shape_cast %swap3A_108 : vector<1x16xf32> to vector<16xf32>
      %swap3A_110 = vector.shape_cast %get3A_105 : vector<16xf32> to vector<1x16xf32>
      tpu.vector_store %arg7[%swap3A_106, %swap3A_107], %swap3A_110 {strides = array<i32>} : memref<160x128xf32, #tpu.memory_space<vmem>>, vector<1x16xf32>,
      %mul3A_111 = arith.constant 4 : i32
      %mul3A_112 = arith.muli %add3A_34, %mul3A_111 : i32
      %add3A_113 = arith.constant 3 : i32
      %add3A_114 = arith.addi %mul3A_112, %add3A_113 : i32
      %get3A_115 = arith.index_cast %add3A_114 : i32 to index
      %get3A_116 = arith.constant 0 : index
      %get3A_117 = tpu.vector_load %arg6[%get3A_115, %get3A_116] {strides = array<i32>} : memref<640x32xf32, #tpu.memory_space<vmem>>, vector<1x16xf32>,
      %get3A_118 = vector.shape_cast %get3A_117 : vector<1x16xf32> to vector<16xf32>
      %swap3A_119 = arith.index_cast %add3A_34 : i32 to index
      %swap3A_120 = arith.constant 96 : index
      %swap3A_121 = tpu.vector_load %arg7[%swap3A_119, %swap3A_120] {strides = array<i32>} : memref<160x128xf32, #tpu.memory_space<vmem>>, vector<1x16xf32>,
      %swap3A_122 = vector.shape_cast %swap3A_121 : vector<1x16xf32> to vector<16xf32>
      %swap3A_123 = vector.shape_cast %get3A_118 : vector<16xf32> to vector<1x16xf32>
      tpu.vector_store %arg7[%swap3A_119, %swap3A_120], %swap3A_123 {strides = array<i32>} : memref<160x128xf32, #tpu.memory_space<vmem>>, vector<1x16xf32>,
      %mul3A_124 = arith.constant 4 : i32
      %mul3A_125 = arith.muli %add3A_34, %mul3A_124 : i32
      %add3A_126 = arith.constant 3 : i32
      %add3A_127 = arith.addi %mul3A_125, %add3A_126 : i32
      %get3A_128 = arith.index_cast %add3A_127 : i32 to index
      %get3A_129 = arith.constant 16 : index
      %get3A_130 = tpu.vector_load %arg6[%get3A_128, %get3A_129] {strides = array<i32>} : memref<640x32xf32, #tpu.memory_space<vmem>>, vector<1x16xf32>,
      %get3A_131 = vector.shape_cast %get3A_130 : vector<1x16xf32> to vector<16xf32>
      %swap3A_132 = arith.index_cast %add3A_34 : i32 to index
      %swap3A_133 = arith.constant 112 : index
      %swap3A_134 = tpu.vector_load %arg7[%swap3A_132, %swap3A_133] {strides = array<i32>} : memref<160x128xf32, #tpu.memory_space<vmem>>, vector<1x16xf32>,
      %swap3A_135 = vector.shape_cast %swap3A_134 : vector<1x16xf32> to vector<16xf32>
      %swap3A_136 = vector.shape_cast %get3A_131 : vector<16xf32> to vector<1x16xf32>
      tpu.vector_store %arg7[%swap3A_132, %swap3A_133], %swap3A_136 {strides = array<i32>} : memref<160x128xf32, #tpu.memory_space<vmem>>, vector<1x16xf32>,
    }
    %scan3A_27 = arith.constant 160 : i32
    %mul3A_28 = arith.constant 160 : i32
    %mul3A_29 = arith.muli %arg1, %mul3A_28 : i32
    "tpu.region"() ({
      %run_scoped3A = tpu.sem_alloc : memref<!tpu.dma_semaphore, #tpu.memory_space<semaphore_mem>>
      %dma_start3A = arith.constant 0 : i32
      %dma_start3A_30 = tpu.memref_slice %arg3[%arg0, %mul3A_29, %dma_start3A] : memref<2x2560x128xf32, #tpu.memory_space<hbm>> -> memref<1x160x128xf32, #tpu.memory_space<hbm>>
      %dma_start3A_31 = tpu.memref_squeeze %dma_start3A_30 : memref<1x160x128xf32, #tpu.memory_space<hbm>> -> memref<160x128xf32, #tpu.memory_space<hbm>>
      %dma_start3A_32 = arith.constant 0 : i32
      %dma_start3A_33 = tpu.memref_slice %arg3[%arg0, %mul3A_29, %dma_start3A_32] : memref<2x2560x128xf32, #tpu.memory_space<hbm>> -> memref<1x160x128xf32, #tpu.memory_space<hbm>>
      %dma_start3A_34 = tpu.memref_squeeze %dma_start3A_33 : memref<1x160x128xf32, #tpu.memory_space<hbm>> -> memref<160x128xf32, #tpu.memory_space<hbm>>
      tpu.enqueue_dma source(%arg7 : memref<160x128xf32, #tpu.memory_space<vmem>>) target(%dma_start3A_34 : memref<160x128xf32, #tpu.memory_space<hbm>>) target_semaphore(%run_scoped3A : memref<!tpu.dma_semaphore, #tpu.memory_space<semaphore_mem>>)
      %dma_wait3A = arith.constant 0 : i32
      %dma_wait3A_35 = tpu.memref_slice %arg3[%arg0, %mul3A_29, %dma_wait3A] : memref<2x2560x128xf32, #tpu.memory_space<hbm>> -> memref<1x160x128xf32, #tpu.memory_space<hbm>>
      %dma_wait3A_36 = tpu.memref_squeeze %dma_wait3A_35 : memref<1x160x128xf32, #tpu.memory_space<hbm>> -> memref<160x128xf32, #tpu.memory_space<hbm>>
      %dma_wait3A_37 = arith.constant 0 : i32
      %dma_wait3A_38 = tpu.memref_slice %arg3[%arg0, %mul3A_29, %dma_wait3A_37] : memref<2x2560x128xf32, #tpu.memory_space<hbm>> -> memref<1x160x128xf32, #tpu.memory_space<hbm>>
      %dma_wait3A_39 = tpu.memref_squeeze %dma_wait3A_38 : memref<1x160x128xf32, #tpu.memory_space<hbm>> -> memref<160x128xf32, #tpu.memory_space<hbm>>
      tpu.wait_dma2 semaphore(%run_scoped3A : memref<!tpu.dma_semaphore, #tpu.memory_space<semaphore_mem>>) src(%arg7 : memref<160x128xf32, #tpu.memory_space<vmem>>) dst(%dma_wait3A_39 : memref<160x128xf32, #tpu.memory_space<hbm>>)
      tpu.yield
    }) : () -> ()
    return
  }
}

</mosaic_0001>

<sc_bundles>
// kernel: _sc_degree.3.cloned.1.call-start
scs
__scs_entry_jumppad:
0x0: {  	(pc) =	sbr.rel $0x88, $3  }
0x1: {  	(tag) =	ssettag $0x0;
	lr =	simm.s32 $0x1  }
0x2: {  	[smem:$0x3FA0] =	sst lr;
	_ =	strace $0xD0000000  }
0x3: {  	_ = 	snop  }
0x4: {  	_ = 	snop  }
0x5: {  	_ = 	snop  }
0x6: {  	_ = 	snop  }
0x7: {  	_ = 	snop  }
__scs_overlays_trampoline_lowered:
0x8: {  	[smem:$0x3FAF] =	sst s0  }
0x9: {  	[smem:$0x3FB0] =	sst s1  }
0xa: {  	[smem:$0x3FB1] =	sst s2  }
0xb: {  	[smem:$0x3FB2] =	sst s3  }
0xc: {  	[smem:$0x3FB3] =	sst s4  }
0xd: {  	[smem:$0x3FB4] =	sst s5  }
0xe: {  	[smem:$0x3FB5] =	sst s6  }
0xf: {  	[smem:$0x3FB6] =	sst s7  }
0x10: {  	[smem:$0x3FB7] =	sst s8  }
0x11: {  	[smem:$0x3FB8] =	sst s9;
	s0 =	simm.s32 @!p0 $0x0  }
0x12: {  	s1 =	sld [smem:$0x3F9E];
	s0 =	simm.s32 @p0 $0x1  }
0x13: {  	[smem:$0x3FB9] =	sst s0;
	s0 =	simm.s32 @!p1 $0x0  }
0x14: {  	s2 =	sld [smem:$0x3F9D];
	s0 =	simm.s32 @p1 $0x1  }
0x15: {  	[smem:$0x3FBA] =	sst s0;
	s0 =	simm.s32 @!p2 $0x0  }
0x16: {  	s3 =	sld [smem:$0x3FDB];
	s0 =	simm.s32 @p2 $0x1  }
0x17: {  	s4 =	simm.s32 $0x1BF5;
	[smem:$0x3FBC] =	sst s0  }
0x18: {  	s0 =	sld [smem:$0x3F9F];
	_ =	swait.ge [sflag:s4], $0x0  }
0x19: {  	s7 =	sld [smem:$0x3FA0]  }
0x1a: {  	s8 =	sadd.s32 $0xFFFFE003, lr  }
0x1b: {  	s9 =	sadd.s32 $0xFFFFFEF7, lr;
	s5 =	simm.s32 $0xFFFFFFFF;
	p2 =	slt.u32 s8, $0xFFFFF086  }
0x1c: {  	p1 =	slt.u32 s9, $0xF7A;
	s5 =	simm.s32 @!p2 $0x0  }
0x1d: {  	s5 =	simm.s32 @p1 $0x1;
	p0 =	seq.s32 s7, s2  }
0x1e: {  	s7 =	smul.u32 @!p0 $0xF7A, s2;
	p2 =	seq.s32 @!p0 s5, $0x0  }
0x1f: {  	s9 =	smul.u32 $0xF7A, s1;
	s8 =	simm.s32 @!p0 $0x1BF5;
	p2 =	por !p2, p0  }
0x20: {  	[sflag:s8] =	ssyncset.s32 @!p0 $0xFFFFF086;
	s6 =	sadd.s32 @!p0 s3, s7;
	s7 =	simm.s32 @!p0 $0x108  }
0x21: {  	s3 =	sadd.s32 s3, s9;
	s6 =	sadd.s32 @!p0 $0x88, s6;
	s7 =	simm.s32 @p2 $0x1082  }
0x22: {  	[simem:s7], [sflag:s8] =	dma.local @!p0 [hbm:s6], $0xF7A  }
0x23: {  	s9 =	sor.u32 $0xD0000000, s2;
	s6 =	simm.s32 $0x108;
	_ =	swait.ge @!p0 [sflag:s8], $0x0  }
0x24: {  	s3 =	sadd.s32 $0x88, s3;
	s6 =	simm.s32 @!p1 $0x1082;
	[sflag:s4] =	ssyncset.s32 $0xFFFFF086  }
0x25: {  	[simem:s6], [sflag:s4] =	dma.local [hbm:s3], $0xF7A  }
0x26: {  	[smem:$0x3FA0] =	sst s1;
	(tag) =	ssettag s2;
	_ =	strace s9  }
0x27: {  	s1 =	sld [smem:$0x3FB0]  }
0x28: {  	s2 =	sld [smem:$0x3FB1]  }
0x29: {  	s4 =	sld [smem:$0x3FB3]  }
0x2a: {  	p0 =	seq.s32 s5, $0x0;
	s5 =	sld [smem:$0x3FB4]  }
0x2b: {  	s6 =	sld [smem:$0x3FB5]  }
0x2c: {  	s7 =	sld [smem:$0x3FB6]  }
0x2d: {  	s3 =	simm.s32 $0x108;
	s8 =	sld [smem:$0x3FB7]  }
0x2e: {  	s3 =	simm.s32 @!p0 $0x1082;
	s9 =	sld [smem:$0x3FB8]  }
0x2f: {  	lr =	sadd.s32 s0, s3;
	s0 =	sld [smem:$0x3FAF]  }
0x30: {  	s3 =	sld [smem:$0x3FB2]  }
0x31: {  	[smem:$0x3FBB] =	sst s10  }
0x32: {  	s10 =	sld [smem:$0x3FB9];
	_ =	sdelay $0x3  }
0x33: {  	p0 =	seq.s32 s10, $0x1;
	s10 =	sld [smem:$0x3FBB];
	_ =	sdelay $0x3  }
0x34: {  	[smem:$0x3FBB] =	sst s10  }
0x35: {  	s10 =	sld [smem:$0x3FBA];
	_ =	sdelay $0x3  }
0x36: {  	p1 =	seq.s32 s10, $0x1;
	s10 =	sld [smem:$0x3FBB];
	_ =	sdelay $0x3  }
0x37: {  	[smem:$0x3FBB] =	sst s10  }
0x38: {  	s10 =	sld [smem:$0x3FBC]  }
0x39: {  	_ = 	snop;
	(pc) =	sbr.ind lr, $3  }
0x3a: {  	_ = 	snop  }
0x3b: {  	_ = 	snop  }
0x3c: {  	p2 =	seq.s32 s10, $0x1;
	s10 =	sld [smem:$0x3FBB]  }
0x3d: {  	_ =	shalt  }
0x3e: {  	_ =	shalt  }
0x3f: {  	_ =	shalt  }
0x40: {  	_ =	shalt  }
0x41: {  	_ =	shalt  }
0x42: {  	_ =	shalt  }
0x43: {  	_ =	shalt  }
0x44: {  	_ =	shalt  }
0x45: {  	_ =	shalt  }
0x46: {  	_ =	shalt  }
0x47: {  	_ =	shalt  }
0x48: {  	_ =	shalt  }
0x49: {  	_ =	shalt  }
0x4a: {  	_ =	shalt  }
0x4b: {  	_ =	shalt  }
0x4c: {  	_ =	shalt  }
0x4d: {  	_ =	shalt  }
0x4e: {  	_ =	shalt  }
0x4f: {  	_ =	shalt  }
0x50: {  	_ =	shalt  }
0x51: {  	_ =	shalt  }
0x52: {  	_ =	shalt  }
0x53: {  	_ =	shalt  }
0x54: {  	_ =	shalt  }
0x55: {  	_ =	shalt  }
0x56: {  	_ =	shalt  }
0x57: {  	_ =	shalt  }
0x58: {  	_ =	shalt  }
0x59: {  	_ =	shalt  }
0x5a: {  	_ =	shalt  }
0x5b: {  	_ =	shalt  }
0x5c: {  	_ =	shalt  }
0x5d: {  	_ =	shalt  }
0x5e: {  	_ =	shalt  }
0x5f: {  	_ =	shalt  }
0x60: {  	_ =	shalt  }
0x61: {  	_ =	shalt  }
0x62: {  	_ =	shalt  }
0x63: {  	_ =	shalt  }
0x64: {  	_ =	shalt  }
0x65: {  	_ =	shalt  }
0x66: {  	_ =	shalt  }
0x67: {  	_ =	shalt  }
0x68: {  	_ =	shalt  }
0x69: {  	_ =	shalt  }
0x6a: {  	_ =	shalt  }
0x6b: {  	_ =	shalt  }
0x6c: {  	_ =	shalt  }
0x6d: {  	_ =	shalt  }
0x6e: {  	_ =	shalt  }
0x6f: {  	_ =	shalt  }
0x70: {  	_ =	shalt  }
0x71: {  	_ =	shalt  }
0x72: {  	_ =	shalt  }
0x73: {  	_ =	shalt  }
0x74: {  	_ =	shalt  }
0x75: {  	_ =	shalt  }
0x76: {  	_ =	shalt  }
0x77: {  	_ =	shalt  }
0x78: {  	_ =	shalt  }
0x79: {  	_ =	shalt  }
0x7a: {  	_ =	shalt  }
0x7b: {  	_ =	shalt  }
0x7c: {  	_ =	shalt  }
0x7d: {  	_ =	shalt  }
0x7e: {  	_ =	shalt  }
0x7f: {  	_ =	shalt  }
0x80: {  	_ =	shalt  }
0x81: {  	_ =	shalt  }
0x82: {  	_ =	shalt  }
0x83: {  	_ =	shalt  }
0x84: {  	_ =	shalt  }
0x85: {  	_ =	shalt  }
0x86: {  	_ =	shalt  }
0x87: {  	_ =	shalt  }
.Lfunc_end0:
.L_simem_size_0:
called_computation_lowered:
.L_overlay_start_0:
0x88: {  	s2 =	sld [smem:$0x3FD9]  }
0x89: {  	s3 =	sld [smem:$0x3FFE];
	_ =	sdelay $0x1  }
0x8a: {  	s1 =	srdreg.scid  }
0x8b: {  	s0 =	sand.u32 $0x1, s1  }
0x8c: {  	s18 =	sshll.u32 s0, $0xA;
	s2 =	sadd.s32 s3, s2  }
0x8d: {  	s2 =	sadd.s32 s2, s18  }
0x8e: {  	[smem:$0x3FC7] =	sst s2  }
0x8f: {  	_ = 	snop  }
0x90: {  	s2 =	sld [smem:$0x3FC9]  }
0x91: {  	s19 =	sld [smem:$0x3FD0];
	(tm) =	ssettm $0x1  }
0x92: {  	s4 =	sld [smem:$0x3FFB];
	_ =	sdelay $0x3  }
0x93: {  	_ =	strace s4  }
0x94: {  	s4 =	sld [smem:$0x3FFC];
	_ =	sdelay $0x3  }
0x95: {  	_ =	strace s4  }
0x96: {  	s4 =	sld [smem:$0x3FFD];
	_ =	sdelay $0x3  }
0x97: {  	_ =	strace s4  }
0x98: {  	_ =	strace $0x8FFFFFFF  }
0x99: {  	s20 =	sld [smem:$0x3FDB];
	_ =	sdelay $0x1  }
0x9a: {  	s5 =	simm.s32 $_scs_section_size  }
0x9b: {  	s6 =	simm.s32 $_size__tile_overlayer_lowered;
	s7 =	simm.s32 $_tile_overlayer_lowered  }
0x9c: {  	s23 =	simm.s32 $0x1BFF;
	s22 =	sshll.u32 s7, $0x1;
	s4 =	sadd.s32 s5, s20  }
0x9d: {  	s8 =	simm.s32 $0x0;
	s21 =	sshll.u32 s6, $0x1;
	s6 =	sadd.s32 s22, s4  }
0x9e: {  	[timem:s8], [sflag:s23] =	dma.local [hbm:s6], s21  }
0x9f: {  	_ =	swait.ge [sflag:s23], s21  }
0xa0: {  	s5 =	ssub.s32 $0x0, s21;
	[sflag:s23] =	ssyncset.done $0x0  }
0xa1: {  	[sflag:s23] =	ssyncadd.s32 s5;
	_ =	sdelay $0x1  }
0xa2: {  	s24 =	simm.s32 $0x1B8B  }
0xa3: {  	_ =	swait.ge [sflag:s24], $0x1  }
0xa4: {  	[sflag:s24] =	ssyncset.done $0x0  }
0xa5: {  	s25 =	simm.s32 $0x1B8E;
	[sflag:s24] =	ssyncadd.s32 $0xFFFFFFFF  }
0xa6: {  	s26 =	simm.s32 $execute0_lowered;
	[smem:$0x3FD2] =	sst s25  }
0xa7: {  	s5 =	sshll.u32 s26, $0x1;
	_ =	strace $0x80000046;
	[dreg:$0x1] =	wrdreg $0xFFFFFFFF  }
0xa8: {  	s28 =	simm.s32 $_size_execute0_lowered;
	s4 =	sadd.s32 s4, s5;
	[dreg:$0x0] =	wrdreg $0x0  }
0xa9: {  	s5 =	sshll.u32 s28, $0x1;
	[dreg:$0x2] =	wrdreg s4  }
0xaa: {  	[dreg:$0x3] =	wrdreg s5  }
0xab: {  	[dreg:$0x4] =	wrdreg $0xC0  }
0xac: {  	_ =	task [dreg:s8], $0x5FFFF  }
0xad: {  	[dreg:$0x1] =	wrdreg $0xFFFFFFFF  }
0xae: {  	[dreg:$0x0] =	wrdreg $0x60  }
0xaf: {  	[dreg:$0x2] =	wrdreg s2  }
0xb0: {  	[dreg:$0x3] =	wrdreg s19  }
0xb1: {  	[dreg:$0x4] =	wrdreg $0xD8000  }
0xb2: {  	[dreg:$0x5] =	wrdreg $0x9  }
0xb3: {  	_ =	task.clear_ibuf [dreg:s8], $0x6FFFF;
	_ =	strace $0x90000046  }
0xb4: {  	s29 =	simm.s32 $0x9;
	_ =	strace $0x80000048  }
0xb5: {  	_ =	swait.ge [sflag:s29], $0x1  }
0xb6: {  	[sflag:s29] =	ssyncadd.s32 $0xFFFFFFFF  }
0xb7: {  	_ =	strace $0x90000048  }
0xb8: {  	_ =	sfence  }
0xb9: {  	s30 =	sld [smem:$0x0];
	_ =	sdelay $0x2  }
0xba: {  	s31 =	sshll.u32 s1, $0xD;
	s1 =	sshrl.u32 s1, $0x2  }
0xbb: {  	s3 =	sand.u32 $0x4000, s31;
	s1 =	sadd.s32 s1, s30  }
0xbc: {  	s0 =	sor.u32 s3, s0;
	s1 =	sshll.u32 s1, $0x11  }
0xbd: {  	s0 =	sor.u32 s1, s0  }
0xbe: {  	s0 =	sadd.s32 $0x8F2B, s0  }
0xbf: {  	[sflag:s0] =	ssyncadd.remote.s32 $0x1  }
0xc0: {  	_ =	sfence.sel $0xFFFF  }
0xc1: {  	[dreg:$0x0] =	wrdreg $0xFFFFFFFF;
	(pc) =	sbr.abs _section_cstart, $3  }
0xc2: {  	[dreg:$0x1] =	wrdreg $0xFFFFFFFF  }
0xc3: {  	_ =	task.clear_ibuf [dreg:s8], $0x2FFFF;
	_ =	strace $0x9FFFFFFF  }
0xc4: {  	(tm) =	ssettm $0x7FFFFFFF  }
0xc5: {  	_ =	shalt  }
tec
execute0_lowered:
.L_overlay_start_1:
0x0: {  	(tag) =	ssettag $0x1  }
0x1: {  	s4 =	rddreg [dreg:$0x0]  }
0x2: {  	s6 =	rddreg [dreg:$0x1]  }
0x3: {  	s1 =	rddreg [dreg:$0x2]  }
0x4: {  	s0 =	rddreg [dreg:$0x3]  }
0x5: {  	s3 =	simm.s32 $0x0;
	s2 =	srdreg.scid;
	s12 =	simm.s32 $0x1  }
0x6: {  	s13 =	simm.s32 $0x2;
	s14 =	simm.s32 $0x3;
	s15 =	simm.s32 $0x4  }
0x7: {  	s16 =	simm.s32 $0x5;
	s17 =	simm.s32 $0x8800;
	s5 =	sand.u32 $0x1, s2  }
0x8: {  	s18 =	simm.s32 $0x0;
	s2 =	stileid.u32;
	s7 =	smul.u32 $0x50000, s5  }
0x9: {  	[smem:$0x7FF] =	sst s3;
	s8 =	sshll.u32 s5, $0x4;
	s9 =	smul.u32 $0x5000, s2  }
0xa: {  	s5 =	ssub.s32 $0x2, s5;
	s10 =	smul.u32 $0x14000, s2;
	s8 =	sor.u32 s2, s8  }
0xb: {  	_ =	strace $0x80000047;
	s11 =	sshrl.u32 s5, $0x1;
	s8 =	smul.u32 $0x500, s8  }
0xc: {  	s7 =	sadd.s32 s9, s7;
	s30 =	ssub.s32 s5, s11;
	s31 =	sshrl.u32 s10, $0x2  }
0xd: {  	s9 =	simm.s32 $0x3800;
	s10 =	simm.s32 $0x80;
	s11 =	simm.s32 $0x2800  }
0xe: {  	s7 =	sshrl.u32 s7, $0x3;
	s5 =	sadd.s32 s31, s1;
	s4 =	sadd.s32 s4, s8  }
0xf: {  	v0 =	vimm.f32 $1.000000000e+00;
	v1 =	vimm.f32 $0.0e+00;
	s6 =	sadd.s32 s6, s7;
	s7 =	smax.u32 s30, $0x1;
	s8 =	simm.s32 $0x6  }
.LBB2_1:
0x10: {  	[tilespmem:s3], [sflag:$0x6] =	stream.linear.gather [hbm4b:s4+s3], $0x2800, $0x38;
	[tilespmem:$0x12800] =	vst v63  }
0x11: {  	_ =	swait.ge [sflag:s8], $0x2800  }
0x12: {  	[sflag:s8] =	ssyncset.done $0x0  }
0x13: {  	s19 =	simm.s32 $0x0;
	[sflag:s8] =	ssyncadd.s32 $0xFFFFD800  }
.LBB2_2:
0x14: {  	p0 =	sne.s32 s19, $0x3F80  }
.Ltmp0:
0x15: {  	_ = 	snop;
	(pc) =	sbr.rel @p0 .LBB2_2-.Ltmp0, $4  }
0x16: {  	_ = 	snop  }
0x17: {  	s20 =	sshra.s32 s19, $0x2  }
0x18: {  	[tilespmem:s20+$0x2800] =	vst v0  }
0x19: {  	s19 =	sadd.s32 $0x80, s19;
	[tilespmem:s20+$0x2810] =	vst v0  }
0x1a: {  	s19 =	simm.s32 $0x80;
	s20 =	simm.s32 $0x0  }
.LBB2_4:
0x1b: {  	p0 =	sne.s32 s19, $0x13F80;
	[tilespmem:s20+$0x3800] =	vst v1;
	s21 =	smov.u32 s19;
	s19 =	sadd.s32 $0x80, s19  }
.Ltmp1:
0x1c: {  	[tilespmem:s20+$0x3810] =	vst v1;
	(pc) =	sbr.rel @p0 .LBB2_4-.Ltmp1, $2  }
0x1d: {  	_ =	sdelay $0x2  }
0x1e: {  	s20 =	sshra.s32 s21, $0x2  }
0x1f: {  	[tilespmem:s20+$0x3800] =	vst v1  }
0x20: {  	[tilespmem:s20+$0x3810] =	vst v1  }
0x21: {  	[spmem:s5] =	stream.linear.scatter [tilespmem:s9], [sflag:$0x6], $0x5000, $0x38;
	[tilespmem:$0x12800] =	vst v63  }
0x22: {  	_ =	swait.ge [sflag:s8], $0x5000  }
0x23: {  	[sflag:s8] =	ssyncset.done $0x0  }
0x24: {  	[sflag:s8] =	ssyncadd.s32 $0xFFFFB000  }
0x25: {  	s19 =	simm.s32 $0x0;
	[bflag:$0x0] =	sbarrier.arrive $0xFFFF  }
0x26: {  	[spmem:s1] =	stream.indirect.scatter.add.f32 [tilespmem:s11], [sflag:$0x1], $0x20, s19, s10, $0xb8;
	[tilespmem:$0x12800] =	vst v63  }
0x27: {  	s28 =	simm.s32 $0x80  }
0x28: {  	[spmem:s1] =	stream.indirect.scatter.add.f32 [tilespmem:s11], [sflag:$0x2], $0x20, s28, s10, $0xb8;
	[tilespmem:$0x12800] =	vst v63  }
0x29: {  	s29 =	simm.s32 $0x100  }
0x2a: {  	[spmem:s1] =	stream.indirect.scatter.add.f32 [tilespmem:s11], [sflag:$0x3], $0x20, s29, s10, $0xb8;
	[tilespmem:$0x12800] =	vst v63  }
0x2b: {  	s30 =	simm.s32 $0x180  }
0x2c: {  	[spmem:s1] =	stream.indirect.scatter.add.f32 [tilespmem:s11], [sflag:$0x4], $0x20, s30, s10, $0xb8;
	[tilespmem:$0x12800] =	vst v63  }
0x2d: {  	s31 =	simm.s32 $0x200  }
0x2e: {  	[spmem:s1] =	stream.indirect.scatter.add.f32 [tilespmem:s11], [sflag:$0x5], $0x20, s31, s10, $0xb8;
	[tilespmem:$0x12800] =	vst v63  }
0x2f: {  	_ =	swait.ge [sflag:s12], $0x1000  }
0x30: {  	[sflag:s12] =	ssyncset.done $0x0  }
0x31: {  	[sflag:s12] =	ssyncadd.s32 $0xFFFFF000  }
0x32: {  	_ =	swait.ge [sflag:s13], $0x1000  }
0x33: {  	[sflag:s13] =	ssyncset.done $0x0  }
0x34: {  	[sflag:s13] =	ssyncadd.s32 $0xFFFFF000  }
0x35: {  	_ =	swait.ge [sflag:s14], $0x1000  }
0x36: {  	[sflag:s14] =	ssyncset.done $0x0  }
0x37: {  	[sflag:s14] =	ssyncadd.s32 $0xFFFFF000  }
0x38: {  	_ =	swait.ge [sflag:s15], $0x1000  }
0x39: {  	[sflag:s15] =	ssyncset.done $0x0  }
0x3a: {  	[sflag:s15] =	ssyncadd.s32 $0xFFFFF000  }
0x3b: {  	_ =	swait.ge [sflag:s16], $0x1000  }
0x3c: {  	s20 =	simm.s32 $0x1400;
	s19 =	simm.s32 $0xA00;
	[sflag:s16] =	ssyncset.done $0x0  }
.LBB2_6:
0x3d: {  	s21 =	sshra.s32 s19, $0x2  }
0x3e: {  	[sflag:s16] =	ssyncadd.s32 $0xFFFFF000;
	s19 =	smov.u32 s20;
	s22 =	sadd.s32 $0xA00, s20  }
0x3f: {  	[spmem:s1] =	stream.indirect.scatter.add.f32 [tilespmem:s11], [sflag:$0x1], $0x20, s21, s10, $0xb8;
	[tilespmem:$0x12800] =	vst v63  }
0x40: {  	p0 =	sne.s32 s20, $0x9600;
	s20 =	sadd.s32 $0x80, s21  }
0x41: {  	[spmem:s1] =	stream.indirect.scatter.add.f32 [tilespmem:s11], [sflag:$0x2], $0x20, s20, s10, $0xb8;
	[tilespmem:$0x12800] =	vst v63  }
0x42: {  	s20 =	sadd.s32 $0x100, s21  }
0x43: {  	[spmem:s1] =	stream.indirect.scatter.add.f32 [tilespmem:s11], [sflag:$0x3], $0x20, s20, s10, $0xb8;
	[tilespmem:$0x12800] =	vst v63  }
0x44: {  	s20 =	sadd.s32 $0x180, s21  }
0x45: {  	[spmem:s1] =	stream.indirect.scatter.add.f32 [tilespmem:s11], [sflag:$0x4], $0x20, s20, s10, $0xb8;
	[tilespmem:$0x12800] =	vst v63  }
0x46: {  	s20 =	sadd.s32 $0x200, s21  }
0x47: {  	[spmem:s1] =	stream.indirect.scatter.add.f32 [tilespmem:s11], [sflag:$0x5], $0x20, s20, s10, $0xb8;
	[tilespmem:$0x12800] =	vst v63  }
0x48: {  	_ =	swait.ge [sflag:s12], $0x1000  }
0x49: {  	[sflag:s12] =	ssyncset.done $0x0  }
0x4a: {  	[sflag:s12] =	ssyncadd.s32 $0xFFFFF000  }
0x4b: {  	_ =	swait.ge [sflag:s13], $0x1000  }
0x4c: {  	[sflag:s13] =	ssyncset.done $0x0  }
0x4d: {  	[sflag:s13] =	ssyncadd.s32 $0xFFFFF000  }
0x4e: {  	_ =	swait.ge [sflag:s14], $0x1000  }
0x4f: {  	[sflag:s14] =	ssyncset.done $0x0  }
0x50: {  	[sflag:s14] =	ssyncadd.s32 $0xFFFFF000  }
.Ltmp2:
0x51: {  	_ =	swait.ge [sflag:s15], $0x1000;
	(pc) =	sbr.rel @p0 .LBB2_6-.Ltmp2, $4  }
0x52: {  	[sflag:s15] =	ssyncset.done $0x0  }
0x53: {  	[sflag:s15] =	ssyncadd.s32 $0xFFFFF000  }
0x54: {  	_ =	swait.ge [sflag:s16], $0x1000  }
0x55: {  	s20 =	smov.u32 s22;
	[sflag:s16] =	ssyncset.done $0x0  }
0x56: {  	s19 =	sshra.s32 s19, $0x2;
	[sflag:s16] =	ssyncadd.s32 $0xFFFFF000  }
0x57: {  	[spmem:s1] =	stream.indirect.scatter.add.f32 [tilespmem:s11], [sflag:$0x1], $0x20, s19, s10, $0xb8;
	[tilespmem:$0x12800] =	vst v63  }
0x58: {  	s20 =	sadd.s32 $0x80, s19  }
0x59: {  	[spmem:s1] =	stream.indirect.scatter.add.f32 [tilespmem:s11], [sflag:$0x2], $0x20, s20, s10, $0xb8;
	[tilespmem:$0x12800] =	vst v63  }
0x5a: {  	s30 =	sadd.s32 $0x100, s19  }
0x5b: {  	[spmem:s1] =	stream.indirect.scatter.add.f32 [tilespmem:s11], [sflag:$0x3], $0x20, s30, s10, $0xb8;
	[tilespmem:$0x12800] =	vst v63  }
0x5c: {  	s31 =	sadd.s32 $0x180, s19  }
0x5d: {  	[spmem:s1] =	stream.indirect.scatter.add.f32 [tilespmem:s11], [sflag:$0x4], $0x20, s31, s10, $0xb8;
	[tilespmem:$0x12800] =	vst v63  }
0x5e: {  	s19 =	sadd.s32 $0x200, s19  }
0x5f: {  	[spmem:s1] =	stream.indirect.scatter.add.f32 [tilespmem:s11], [sflag:$0x5], $0x20, s19, s10, $0xb8;
	[tilespmem:$0x12800] =	vst v63  }
0x60: {  	_ =	swait.ge [sflag:s12], $0x1000  }
0x61: {  	[sflag:s12] =	ssyncset.done $0x0  }
0x62: {  	[sflag:s12] =	ssyncadd.s32 $0xFFFFF000  }
0x63: {  	_ =	swait.ge [sflag:s13], $0x1000  }
0x64: {  	[sflag:s13] =	ssyncset.done $0x0  }
0x65: {  	[sflag:s13] =	ssyncadd.s32 $0xFFFFF000  }
0x66: {  	_ =	swait.ge [sflag:s14], $0x1000  }
0x67: {  	[sflag:s14] =	ssyncset.done $0x0  }
0x68: {  	[sflag:s14] =	ssyncadd.s32 $0xFFFFF000  }
0x69: {  	_ =	swait.ge [sflag:s15], $0x1000  }
0x6a: {  	[sflag:s15] =	ssyncset.done $0x0  }
0x6b: {  	[sflag:s15] =	ssyncadd.s32 $0xFFFFF000  }
0x6c: {  	_ =	swait.ge [sflag:s16], $0x1000  }
0x6d: {  	[sflag:s16] =	ssyncset.done $0x0  }
0x6e: {  	[sflag:s16] =	ssyncadd.s32 $0xFFFFF000  }
0x6f: {  	[bflag:$0x0] =	sbarrier.arrive $0xFFFF  }
0x70: {  	[tilespmem:s9], [sflag:$0x6] =	stream.linear.gather [spmem:s5], $0x5000, $0x38;
	[tilespmem:$0x12800] =	vst v63  }
0x71: {  	_ =	swait.ge [sflag:s8], $0x5000  }
0x72: {  	[sflag:s8] =	ssyncset.done $0x0  }
0x73: {  	s19 =	simm.s32 $0x0;
	[sflag:s8] =	ssyncadd.s32 $0xFFFFB000  }
0x74: {  	v5 =	vld [tilespmem:s19+$0x3870]  }
0x75: {  	v6 =	vld [tilespmem:s19+$0x3800]  }
0x76: {  	v7 =	vld [tilespmem:s19+$0x3810]  }
0x77: {  	v4 =	vld [tilespmem:s19+$0x3820]  }
0x78: {  	v2 =	vld [tilespmem:s19+$0x3830]  }
0x79: {  	v3 =	vld [tilespmem:s19+$0x3840];
	[tilespmem:s19+$0x8870] =	vst v5  }
0x7a: {  	[tilespmem:s19+$0x8800] =	vst v6;
	v5 =	vld [tilespmem:s19+$0x3850]  }
0x7b: {  	s21 =	simm.s32 $0x400;
	s20 =	simm.s32 $0x80;
	[tilespmem:s19+$0x8810] =	vst v7;
	v6 =	vld [tilespmem:s19+$0x3860]  }
.LBB2_8:
0x7c: {  	p0 =	sne.s32 s21, $0x13E00;
	v7 =	vld [tilespmem:s20+$0x3870];
	[tilespmem:s19+$0x8820] =	vst v4  }
0x7d: {  	v8 =	vld [tilespmem:s20+$0x3800];
	[tilespmem:s19+$0x8830] =	vst v2  }
0x7e: {  	v9 =	vld [tilespmem:s20+$0x3810];
	[tilespmem:s19+$0x8840] =	vst v3  }
.Ltmp3:
0x7f: {  	v4 =	vld [tilespmem:s20+$0x3820];
	[tilespmem:s19+$0x8850] =	vst v5;
	(pc) =	sbr.rel @p0 .LBB2_8-.Ltmp3, $4  }
0x80: {  	v2 =	vld [tilespmem:s20+$0x3830];
	[tilespmem:s19+$0x8860] =	vst v6;
	s19 =	smov.u32 s20  }
0x81: {  	v3 =	vld [tilespmem:s19+$0x3840];
	[tilespmem:s19+$0x8870] =	vst v7  }
0x82: {  	[tilespmem:s19+$0x8800] =	vst v8;
	v5 =	vld [tilespmem:s19+$0x3850]  }
0x83: {  	s20 =	sshra.s32 s21, $0x2;
	s21 =	sadd.s32 $0x200, s21;
	[tilespmem:s19+$0x8810] =	vst v9;
	v6 =	vld [tilespmem:s19+$0x3860]  }
0x84: {  	v7 =	vld [tilespmem:s20+$0x3870];
	[tilespmem:s19+$0x8820] =	vst v4  }
0x85: {  	v4 =	vld [tilespmem:s20+$0x3800];
	[tilespmem:s19+$0x8830] =	vst v2  }
0x86: {  	v2 =	vld [tilespmem:s20+$0x3810];
	[tilespmem:s19+$0x8840] =	vst v3  }
0x87: {  	v3 =	vld [tilespmem:s20+$0x3820];
	[tilespmem:s19+$0x8850] =	vst v5  }
0x88: {  	v5 =	vld [tilespmem:s20+$0x3830];
	[tilespmem:s19+$0x8860] =	vst v6  }
0x89: {  	v6 =	vld [tilespmem:s20+$0x3840];
	[tilespmem:s20+$0x8870] =	vst v7  }
0x8a: {  	v63 =	vld [tilespmem:s20+$0x3850];
	[tilespmem:s20+$0x8800] =	vst v4  }
0x8b: {  	[tilespmem:s20+$0x8810] =	vst v2;
	v2 =	vld [tilespmem:s20+$0x3860]  }
0x8c: {  	[tilespmem:s20+$0x8820] =	vst v3  }
0x8d: {  	[tilespmem:s20+$0x8830] =	vst v5  }
0x8e: {  	s18 =	sadd.s32 $0x1, s18;
	[tilespmem:s20+$0x8840] =	vst v6  }
0x8f: {  	p0 =	sne.s32 s18, s7;
	[tilespmem:s20+$0x8850] =	vst v63  }
.Ltmp4:
0x90: {  	[tilespmem:s20+$0x8860] =	vst v2;
	(pc) =	sbr.rel @p0 .LBB2_1-.Ltmp4, $4  }
0x91: {  	[hbm4b:s6+s3] =	stream.linear.scatter [tilespmem:s17], [sflag:$0x6], $0x5000, $0x38;
	[tilespmem:$0x12800] =	vst v63  }
0x92: {  	_ =	swait.ge [sflag:s8], $0x5000  }
0x93: {  	[sflag:s8] =	ssyncset.done $0x0  }
0x94: {  	[sflag:s8] =	ssyncadd.s32 $0xFFFFB000  }
0x95: {  	_ =	sfence.sel $0x180000  }
0x96: {  	[bflag:$0x0] =	sbarrier.arrive $0xFFFF  }
0x97: {  	p0 =	sne.s32 s2, $0x0;
	_ =	strace $0x90000047  }
0x98: {  	s0 =	sadd.s32 @!p0 $0x100000, s0;
	[bflag:$0x2] =	sbarrier.arrive $0xFFFF  }
0x99: {  	[sflag:s0] =	ssyncadd.tile.s32 @!p0 $0x1;
	_ =	shalt  }
.Lfunc_end2:
_tile_overlayer_lowered:
.L_overlay_start_2:
0x9a: {  	(tag) =	ssettag $0x2  }
0x9b: {  	s0 =	rddreg [dreg:$0x0];
	s2 =	stileid.u32  }
0x9c: {  	s1 =	rddreg [dreg:$0x1];
	p0 =	sne.s32 s2, $0x0  }
0x9d: {  	s3 =	rddreg [dreg:$0x2];
	[bflag:$0x3] =	sbarrier.arrive $0xFFFF;
	s2 =	simm.s32 @!p0 $0x1C06  }
0x9e: {  	[timem:s3], [sflag:s2] =	dma.local @!p0 [hbm:s0], s1  }
0x9f: {  	s0 =	simm.s32 @!p0 $0x6  }
0xa0: {  	_ =	swait.ge @!p0 [sflag:s0], s1  }
0xa1: {  	s1 =	ssub.s32 @!p0 $0x0, s1;
	[sflag:s0] =	ssyncset.done @!p0 $0x0  }
0xa2: {  	[sflag:s0] =	ssyncadd.s32 @!p0 s1  }
0xa3: {  	[bflag:$0x3] =	sbarrier.arrive $0xFFFF  }
0xa4: {  	_ =	shalt  }

</sc_bundles>
